<compile_context>
chip_gen: v7x
topology: tpu7x:2x2x1
jax: 0.10.2.dev20260603
libtpu: 0.0.44.dev20260713+nightly
codegen_flags: <defaults>
</compile_context>

<pallas_src>
import functools

import jax
import jax.numpy as jnp
from jax import lax
from jax.experimental import pallas as pl
from jax.experimental.pallas import tpu as pltpu
from jax.experimental.pallas import tpu_sc as plsc

N = 7
NP = 8
E = 32
F0 = 224
H1 = 64
H2 = 256
OUT = 576


def _sc_adj(ei_hbm, out_hbm, ei_v, dinv_v, deg_v, a_v):
    f32 = jnp.float32
    core = lax.axis_index("c")
    sub = lax.axis_index("s")

    @pl.when((core == 0) & (sub == 0))
    def _():
        pltpu.sync_copy(ei_hbm, ei_v)
        deg_v[...] = jnp.zeros((16,), f32)
        for i in range(4):
            a_v[pl.ds(i * 16, 16)] = jnp.zeros((16,), f32)
        row0 = ei_v[pl.ds(0, 16)]
        row1 = ei_v[pl.ds(16, 16)]
        col0 = ei_v[pl.ds(32, 16)]
        col1 = ei_v[pl.ds(48, 16)]
        ones = jnp.ones((16,), f32)
        plsc.addupdate_scatter(deg_v, [col0], ones)
        plsc.addupdate_scatter(deg_v, [col1], ones)
        nodes = lax.broadcasted_iota(jnp.int32, (16,), 0)
        deg = deg_v[...] + jnp.where(nodes < N, 1.0, 0.0)
        t = jnp.maximum(deg, 1.0)
        y = 1.0 / t
        for _ in range(10):
            y = y * (1.5 - 0.5 * t * y * y)
        dinv = jnp.where(deg > 0, y, 0.0)
        dinv_v[...] = dinv
        norm0 = plsc.load_gather(dinv_v, [row0]) * plsc.load_gather(dinv_v, [col0])
        norm1 = plsc.load_gather(dinv_v, [row1]) * plsc.load_gather(dinv_v, [col1])
        plsc.addupdate_scatter(a_v, [col0 * NP + row0], norm0)
        plsc.addupdate_scatter(a_v, [col1 * NP + row1], norm1)
        plsc.addupdate_scatter(a_v, [nodes * (NP + 1)], dinv * dinv,
                               mask=nodes < N)
        pltpu.sync_copy(a_v, out_hbm)


def _sc_adjacency(edge_index):
    mesh = plsc.VectorSubcoreMesh(core_axis_name="c", subcore_axis_name="s")
    k = functools.partial(
        pl.kernel,
        mesh=mesh,
        compiler_params=pltpu.CompilerParams(needs_layout_passes=False),
        out_type=jax.ShapeDtypeStruct((NP * NP,), jnp.float32),
        scratch_types=[
            pltpu.VMEM((2 * E,), jnp.int32),
            pltpu.VMEM((16,), jnp.float32),
            pltpu.VMEM((16,), jnp.float32),
            pltpu.VMEM((NP * NP,), jnp.float32),
        ],
    )(_sc_adj)
    return k(edge_index.reshape(2 * E))


def _gnn_tc(a_hbm, x_hbm, w1_hbm, b1_hbm, w2_hbm, b2_hbm,
            wfc_hbm, bfc_hbm, out_ref,
            a_s, x_s, w1_s, b1_s, w2_s, b2_s, wfc_s, bfc_s, sems):
    f32 = jnp.float32
    cps = [
        pltpu.make_async_copy(wfc_hbm, wfc_s, sems.at[0]),
        pltpu.make_async_copy(a_hbm, a_s, sems.at[1]),
        pltpu.make_async_copy(x_hbm, x_s, sems.at[2]),
        pltpu.make_async_copy(w1_hbm, w1_s, sems.at[3]),
        pltpu.make_async_copy(b1_hbm, b1_s, sems.at[4]),
        pltpu.make_async_copy(w2_hbm, w2_s, sems.at[5]),
        pltpu.make_async_copy(b2_hbm, b2_s, sems.at[6]),
        pltpu.make_async_copy(bfc_hbm, bfc_s, sems.at[7]),
    ]
    for c in cps:
        c.start()
    for c in cps[1:]:
        c.wait()

    A = a_s[...]
    xw1 = jax.lax.dot_general(x_s[...], w1_s[...],
                              (((0,), (0,)), ((), ())),
                              preferred_element_type=f32)
    xw1 = jnp.pad(xw1, ((0, NP - N), (0, 0)))
    h1 = jax.nn.relu(jnp.dot(A, xw1, preferred_element_type=f32)
                     + b1_s[...])
    xw2 = jnp.dot(h1, w2_s[...], preferred_element_type=f32)
    h2 = jax.nn.relu(jnp.dot(A, xw2, preferred_element_type=f32)
                     + b2_s[...])

    cps[0].wait()
    acc = bfc_s[...]
    for n in range(N):
        acc = acc + jnp.dot(h2[n:n + 1, :],
                            wfc_s[pl.ds(n * H2, H2), :],
                            preferred_element_type=f32)
    out_ref[...] = acc


def kernel(x, edge_index, W1, b1, W2, b2, Wfc, bfc):
    A = _sc_adjacency(edge_index.astype(jnp.int32)).reshape(NP, NP)
    any_spec = pl.BlockSpec(memory_space=pl.ANY)
    out = pl.pallas_call(
        _gnn_tc,
        in_specs=[any_spec] * 8,
        out_specs=pl.BlockSpec((1, OUT), lambda: (0, 0)),
        out_shape=jax.ShapeDtypeStruct((1, OUT), jnp.float32),
        scratch_shapes=[
            pltpu.VMEM((NP, NP), jnp.float32),
            pltpu.VMEM((F0, N), jnp.float32),
            pltpu.VMEM((F0, H1), jnp.float32),
            pltpu.VMEM((1, H1), jnp.float32),
            pltpu.VMEM((H1, H2), jnp.float32),
            pltpu.VMEM((1, H2), jnp.float32),
            pltpu.VMEM((N * H2, OUT), jnp.float32),
            pltpu.VMEM((1, OUT), jnp.float32),
            pltpu.SemaphoreType.DMA((8,)),
        ],
    )(A, x, W1, b1.reshape(1, H1), W2, b2.reshape(1, H2),
      Wfc, bfc.reshape(1, OUT))
    return out.reshape(24, 24)

# --- scband reference (transcript-rebuilt; emitter-appended) ---
"""Pipeline reference for scband-custom-gnnmodel-36747740185138 (READ-ONLY COPY).

The authoritative reference and input builder live on the scoring server;
editing this copy changes nothing except your own understanding.
"""

import jax, jax.numpy as jnp
import numpy as np


def gcn_conv(x, edge_index, W, b):
    # Faithful PyG GCNConv: add self-loops, symmetric normalization, x@W, scatter-add to dst, + bias
    n = x.shape[0]
    row = edge_index[0]
    col = edge_index[1]
    loop = jnp.arange(n, dtype=edge_index.dtype)
    row = jnp.concatenate([row, loop])
    col = jnp.concatenate([col, loop])
    deg = jnp.zeros((n,), x.dtype).at[col].add(jnp.ones((row.shape[0],), x.dtype))
    dinv = jnp.where(deg > 0, jax.lax.rsqrt(jnp.maximum(deg, 1e-12)), 0.0)
    norm = dinv[row] * dinv[col]
    xw = x @ W
    msg = jnp.take(xw, row, axis=0) * norm[:, None]
    out = jnp.zeros((n, W.shape[1]), x.dtype).at[col].add(msg)
    return out + b


def setup_inputs(seed: int = 0) -> dict:
    key = jax.random.key(seed)
    ks = jax.random.split(key, 6)
    x = jax.random.normal(ks[0], (224, 7), dtype=jnp.float32)
    edge_index = jax.random.randint(ks[1], (2, 32), 0, 7, dtype=jnp.int32)
    W1 = jax.random.normal(ks[2], (224, 64), dtype=jnp.float32) * 0.05
    b1 = jnp.zeros((64,), jnp.float32)
    W2 = jax.random.normal(ks[3], (64, 256), dtype=jnp.float32) * 0.05
    b2 = jnp.zeros((256,), jnp.float32)
    Wfc = jax.random.normal(ks[4], (7 * 256, 576), dtype=jnp.float32) * 0.05
    bfc = jnp.zeros((576,), jnp.float32)
    return {"x": x, "edge_index": edge_index, "W1": W1, "b1": b1, "W2": W2, "b2": b2, "Wfc": Wfc, "bfc": bfc}


def reference(x, edge_index, W1, b1, W2, b2, Wfc, bfc):
    x = x.reshape(-1, x.shape[-1])       # [224, 7]
    x = x.T                              # [7, 224] -> 7 GCN nodes, 224 features
    x = jax.nn.relu(gcn_conv(x, edge_index, W1, b1))   # [7, 64]
    x = jax.nn.relu(gcn_conv(x, edge_index, W2, b2))   # [7, 256]
    x = x[None, :, :]                    # [1, 7, 256]
    x = x.reshape(x.shape[0], -1)        # [1, 1792]
    x = x @ Wfc + bfc                    # [1, 576]
    x = x.reshape(-1, 24, 24)            # [1, 24, 24]
    return jnp.squeeze(x)                # [24, 24]

if __name__ == "__main__":
    import jax
    _d = setup_inputs()
    print(jax.jit(kernel)(*tuple(_d.values())))

</pallas_src>

<mosaic_0001>
#map = affine_map<(d0, d1) -> (0)>
module attributes {stable_mosaic.version = 14 : i64} {
  func.func @_sc_adj(%arg0: i32, %arg1: i32, %arg2: memref<64xi32, #tpu.memory_space<hbm>>, %arg3: memref<64xf32, #tpu.memory_space<hbm>>, %arg4: memref<64xi32, #tpu.memory_space<vmem>>, %arg5: memref<16xf32, #tpu.memory_space<vmem>>, %arg6: memref<16xf32, #tpu.memory_space<vmem>>, %arg7: memref<64xf32, #tpu.memory_space<vmem>>) attributes {dimension_semantics = [#tpu.dimension_semantics<core_parallel>, #tpu.dimension_semantics<subcore_parallel>], iteration_bounds = array<i64: 2, 16>, scalar_prefetch = 0 : i64, scratch_operands = 4 : i64, tpu.core_type = #tpu.core_type<sc_vector_subcore>, window_params = [{transform_indices = #map}, {transform_indices = #map}]} {
    %eq3A = arith.constant 0 : i32
    %eq3A_0 = arith.cmpi eq, %arg0, %eq3A : i32
    %eq3A_1 = arith.constant 0 : i32
    %eq3A_2 = arith.cmpi eq, %arg1, %eq3A_1 : i32
    %and3A = arith.andi %eq3A_0, %eq3A_2 : i1
    %convert_element_type3A = arith.extui %and3A : i1 to i32
    %cond3A = arith.constant 0 : i32
    %cond3A_3 = arith.cmpi ne, %convert_element_type3A, %cond3A : i32
    scf.if %cond3A_3 {
      "tpu.region"() ({
        %run_scoped3A = tpu.sem_alloc : memref<!tpu.dma_semaphore, #tpu.memory_space<semaphore_mem>>
        tpu.enqueue_dma source(%arg2 : memref<64xi32, #tpu.memory_space<hbm>>) target(%arg4 : memref<64xi32, #tpu.memory_space<vmem>>) target_semaphore(%run_scoped3A : memref<!tpu.dma_semaphore, #tpu.memory_space<semaphore_mem>>)
        tpu.wait_dma2 semaphore(%run_scoped3A : memref<!tpu.dma_semaphore, #tpu.memory_space<semaphore_mem>>) src(%arg2 : memref<64xi32, #tpu.memory_space<hbm>>) dst(%arg4 : memref<64xi32, #tpu.memory_space<vmem>>)
        tpu.yield
      }) : () -> ()
      %broadcast_in_dim3A = arith.constant 0.000000e+00 : f32
      %broadcast_in_dim3A_4 = vector.broadcast %broadcast_in_dim3A : f32 to vector<16xf32>
      %swap3A = arith.constant 0 : index
      %swap3A_5 = tpu.vector_load %arg6[%swap3A] {strides = array<i32>} : memref<16xf32, #tpu.memory_space<vmem>>, vector<16xf32>,
      tpu.vector_store %arg6[%swap3A], %broadcast_in_dim3A_4 {strides = array<i32>} : memref<16xf32, #tpu.memory_space<vmem>>, vector<16xf32>,
      %broadcast_in_dim3A_6 = arith.constant 0.000000e+00 : f32
      %broadcast_in_dim3A_7 = vector.broadcast %broadcast_in_dim3A_6 : f32 to vector<16xf32>
      %swap3A_8 = arith.constant 0 : index
      %swap3A_9 = tpu.vector_load %arg7[%swap3A_8] {strides = array<i32>} : memref<64xf32, #tpu.memory_space<vmem>>, vector<16xf32>,
      tpu.vector_store %arg7[%swap3A_8], %broadcast_in_dim3A_7 {strides = array<i32>} : memref<64xf32, #tpu.memory_space<vmem>>, vector<16xf32>,
      %broadcast_in_dim3A_10 = arith.constant 0.000000e+00 : f32
      %broadcast_in_dim3A_11 = vector.broadcast %broadcast_in_dim3A_10 : f32 to vector<16xf32>
      %swap3A_12 = arith.constant 16 : index
      %swap3A_13 = tpu.vector_load %arg7[%swap3A_12] {strides = array<i32>} : memref<64xf32, #tpu.memory_space<vmem>>, vector<16xf32>,
      tpu.vector_store %arg7[%swap3A_12], %broadcast_in_dim3A_11 {strides = array<i32>} : memref<64xf32, #tpu.memory_space<vmem>>, vector<16xf32>,
      %broadcast_in_dim3A_14 = arith.constant 0.000000e+00 : f32
      %broadcast_in_dim3A_15 = vector.broadcast %broadcast_in_dim3A_14 : f32 to vector<16xf32>
      %swap3A_16 = arith.constant 32 : index
      %swap3A_17 = tpu.vector_load %arg7[%swap3A_16] {strides = array<i32>} : memref<64xf32, #tpu.memory_space<vmem>>, vector<16xf32>,
      tpu.vector_store %arg7[%swap3A_16], %broadcast_in_dim3A_15 {strides = array<i32>} : memref<64xf32, #tpu.memory_space<vmem>>, vector<16xf32>,
      %broadcast_in_dim3A_18 = arith.constant 0.000000e+00 : f32
      %broadcast_in_dim3A_19 = vector.broadcast %broadcast_in_dim3A_18 : f32 to vector<16xf32>
      %swap3A_20 = arith.constant 48 : index
      %swap3A_21 = tpu.vector_load %arg7[%swap3A_20] {strides = array<i32>} : memref<64xf32, #tpu.memory_space<vmem>>, vector<16xf32>,
      tpu.vector_store %arg7[%swap3A_20], %broadcast_in_dim3A_19 {strides = array<i32>} : memref<64xf32, #tpu.memory_space<vmem>>, vector<16xf32>,
      %get3A = arith.constant 0 : index
      %get3A_22 = tpu.vector_load %arg4[%get3A] {strides = array<i32>} : memref<64xi32, #tpu.memory_space<vmem>>, vector<16xi32>,
      %get3A_23 = arith.constant 16 : index
      %get3A_24 = tpu.vector_load %arg4[%get3A_23] {strides = array<i32>} : memref<64xi32, #tpu.memory_space<vmem>>, vector<16xi32>,
      %get3A_25 = arith.constant 32 : index
      %get3A_26 = tpu.vector_load %arg4[%get3A_25] {strides = array<i32>} : memref<64xi32, #tpu.memory_space<vmem>>, vector<16xi32>,
      %get3A_27 = arith.constant 48 : index
      %get3A_28 = tpu.vector_load %arg4[%get3A_27] {strides = array<i32>} : memref<64xi32, #tpu.memory_space<vmem>>, vector<16xi32>,
      %broadcast_in_dim3A_29 = arith.constant 1.000000e+00 : f32
      %broadcast_in_dim3A_30 = vector.broadcast %broadcast_in_dim3A_29 : f32 to vector<16xf32>
      tpu.vector_store_idx %arg6[%get3A_26], %broadcast_in_dim3A_30 {add = true} : memref<16xf32, #tpu.memory_space<vmem>>[vector<16xi32>], vector<16xf32>,
      tpu.vector_store_idx %arg6[%get3A_28], %broadcast_in_dim3A_30 {add = true} : memref<16xf32, #tpu.memory_space<vmem>>[vector<16xi32>], vector<16xf32>,
      %iota3A = tpu.iota {dimensions = array<i32: 0>} : vector<16xi32>
      %get3A_31 = arith.constant 0 : index
      %get3A_32 = tpu.vector_load %arg6[%get3A_31] {strides = array<i32>} : memref<16xf32, #tpu.memory_space<vmem>>, vector<16xf32>,
      %lt3A = arith.constant 7 : i32
      %lt3A_33 = vector.broadcast %lt3A : i32 to vector<16xi32>
      %lt3A_34 = arith.cmpi slt, %iota3A, %lt3A_33 : vector<16xi32>
      %jit3A = arith.constant 1.000000e+00 : f32
      %jit3A_35 = arith.constant 0.000000e+00 : f32
      %broadcast_in_dim3A_36 = vector.broadcast %jit3A : f32 to vector<16xf32>
      %broadcast_in_dim3A_37 = vector.broadcast %jit3A_35 : f32 to vector<16xf32>
      %select_n3A = arith.select %lt3A_34, %broadcast_in_dim3A_36, %broadcast_in_dim3A_37 : vector<16xi1>, vector<16xf32>
      %add3A = arith.addf %get3A_32, %select_n3A : vector<16xf32>
      %max3A = arith.constant 1.000000e+00 : f32
      %max3A_38 = vector.broadcast %max3A : f32 to vector<16xf32>
      %max3A_39 = arith.maximumf %add3A, %max3A_38 : vector<16xf32>
      %div3A = arith.constant 1.000000e+00 : f32
      %div3A_40 = vector.broadcast %div3A : f32 to vector<16xf32>
      %div3A_41 = arith.divf %div3A_40, %max3A_39 : vector<16xf32>
      %mul3A = arith.constant 5.000000e-01 : f32
      %mul3A_42 = vector.broadcast %mul3A : f32 to vector<16xf32>
      %mul3A_43 = arith.mulf %mul3A_42, %max3A_39 : vector<16xf32>
      %mul3A_44 = arith.mulf %mul3A_43, %div3A_41 : vector<16xf32>
      %mul3A_45 = arith.mulf %mul3A_44, %div3A_41 : vector<16xf32>
      %sub3A = arith.constant 1.500000e+00 : f32
      %sub3A_46 = vector.broadcast %sub3A : f32 to vector<16xf32>
      %sub3A_47 = arith.subf %sub3A_46, %mul3A_45 : vector<16xf32>
      %mul3A_48 = arith.mulf %div3A_41, %sub3A_47 : vector<16xf32>
      %mul3A_49 = arith.constant 5.000000e-01 : f32
      %mul3A_50 = vector.broadcast %mul3A_49 : f32 to vector<16xf32>
      %mul3A_51 = arith.mulf %mul3A_50, %max3A_39 : vector<16xf32>
      %mul3A_52 = arith.mulf %mul3A_51, %mul3A_48 : vector<16xf32>
      %mul3A_53 = arith.mulf %mul3A_52, %mul3A_48 : vector<16xf32>
      %sub3A_54 = arith.constant 1.500000e+00 : f32
      %sub3A_55 = vector.broadcast %sub3A_54 : f32 to vector<16xf32>
      %sub3A_56 = arith.subf %sub3A_55, %mul3A_53 : vector<16xf32>
      %mul3A_57 = arith.mulf %mul3A_48, %sub3A_56 : vector<16xf32>
      %mul3A_58 = arith.constant 5.000000e-01 : f32
      %mul3A_59 = vector.broadcast %mul3A_58 : f32 to vector<16xf32>
      %mul3A_60 = arith.mulf %mul3A_59, %max3A_39 : vector<16xf32>
      %mul3A_61 = arith.mulf %mul3A_60, %mul3A_57 : vector<16xf32>
      %mul3A_62 = arith.mulf %mul3A_61, %mul3A_57 : vector<16xf32>
      %sub3A_63 = arith.constant 1.500000e+00 : f32
      %sub3A_64 = vector.broadcast %sub3A_63 : f32 to vector<16xf32>
      %sub3A_65 = arith.subf %sub3A_64, %mul3A_62 : vector<16xf32>
      %mul3A_66 = arith.mulf %mul3A_57, %sub3A_65 : vector<16xf32>
      %mul3A_67 = arith.constant 5.000000e-01 : f32
      %mul3A_68 = vector.broadcast %mul3A_67 : f32 to vector<16xf32>
      %mul3A_69 = arith.mulf %mul3A_68, %max3A_39 : vector<16xf32>
      %mul3A_70 = arith.mulf %mul3A_69, %mul3A_66 : vector<16xf32>
      %mul3A_71 = arith.mulf %mul3A_70, %mul3A_66 : vector<16xf32>
      %sub3A_72 = arith.constant 1.500000e+00 : f32
      %sub3A_73 = vector.broadcast %sub3A_72 : f32 to vector<16xf32>
      %sub3A_74 = arith.subf %sub3A_73, %mul3A_71 : vector<16xf32>
      %mul3A_75 = arith.mulf %mul3A_66, %sub3A_74 : vector<16xf32>
      %mul3A_76 = arith.constant 5.000000e-01 : f32
      %mul3A_77 = vector.broadcast %mul3A_76 : f32 to vector<16xf32>
      %mul3A_78 = arith.mulf %mul3A_77, %max3A_39 : vector<16xf32>
      %mul3A_79 = arith.mulf %mul3A_78, %mul3A_75 : vector<16xf32>
      %mul3A_80 = arith.mulf %mul3A_79, %mul3A_75 : vector<16xf32>
      %sub3A_81 = arith.constant 1.500000e+00 : f32
      %sub3A_82 = vector.broadcast %sub3A_81 : f32 to vector<16xf32>
      %sub3A_83 = arith.subf %sub3A_82, %mul3A_80 : vector<16xf32>
      %mul3A_84 = arith.mulf %mul3A_75, %sub3A_83 : vector<16xf32>
      %mul3A_85 = arith.constant 5.000000e-01 : f32
      %mul3A_86 = vector.broadcast %mul3A_85 : f32 to vector<16xf32>
      %mul3A_87 = arith.mulf %mul3A_86, %max3A_39 : vector<16xf32>
      %mul3A_88 = arith.mulf %mul3A_87, %mul3A_84 : vector<16xf32>
      %mul3A_89 = arith.mulf %mul3A_88, %mul3A_84 : vector<16xf32>
      %sub3A_90 = arith.constant 1.500000e+00 : f32
      %sub3A_91 = vector.broadcast %sub3A_90 : f32 to vector<16xf32>
      %sub3A_92 = arith.subf %sub3A_91, %mul3A_89 : vector<16xf32>
      %mul3A_93 = arith.mulf %mul3A_84, %sub3A_92 : vector<16xf32>
      %mul3A_94 = arith.constant 5.000000e-01 : f32
      %mul3A_95 = vector.broadcast %mul3A_94 : f32 to vector<16xf32>
      %mul3A_96 = arith.mulf %mul3A_95, %max3A_39 : vector<16xf32>
      %mul3A_97 = arith.mulf %mul3A_96, %mul3A_93 : vector<16xf32>
      %mul3A_98 = arith.mulf %mul3A_97, %mul3A_93 : vector<16xf32>
      %sub3A_99 = arith.constant 1.500000e+00 : f32
      %sub3A_100 = vector.broadcast %sub3A_99 : f32 to vector<16xf32>
      %sub3A_101 = arith.subf %sub3A_100, %mul3A_98 : vector<16xf32>
      %mul3A_102 = arith.mulf %mul3A_93, %sub3A_101 : vector<16xf32>
      %mul3A_103 = arith.constant 5.000000e-01 : f32
      %mul3A_104 = vector.broadcast %mul3A_103 : f32 to vector<16xf32>
      %mul3A_105 = arith.mulf %mul3A_104, %max3A_39 : vector<16xf32>
      %mul3A_106 = arith.mulf %mul3A_105, %mul3A_102 : vector<16xf32>
      %mul3A_107 = arith.mulf %mul3A_106, %mul3A_102 : vector<16xf32>
      %sub3A_108 = arith.constant 1.500000e+00 : f32
      %sub3A_109 = vector.broadcast %sub3A_108 : f32 to vector<16xf32>
      %sub3A_110 = arith.subf %sub3A_109, %mul3A_107 : vector<16xf32>
      %mul3A_111 = arith.mulf %mul3A_102, %sub3A_110 : vector<16xf32>
      %mul3A_112 = arith.constant 5.000000e-01 : f32
      %mul3A_113 = vector.broadcast %mul3A_112 : f32 to vector<16xf32>
      %mul3A_114 = arith.mulf %mul3A_113, %max3A_39 : vector<16xf32>
      %mul3A_115 = arith.mulf %mul3A_114, %mul3A_111 : vector<16xf32>
      %mul3A_116 = arith.mulf %mul3A_115, %mul3A_111 : vector<16xf32>
      %sub3A_117 = arith.constant 1.500000e+00 : f32
      %sub3A_118 = vector.broadcast %sub3A_117 : f32 to vector<16xf32>
      %sub3A_119 = arith.subf %sub3A_118, %mul3A_116 : vector<16xf32>
      %mul3A_120 = arith.mulf %mul3A_111, %sub3A_119 : vector<16xf32>
      %mul3A_121 = arith.constant 5.000000e-01 : f32
      %mul3A_122 = vector.broadcast %mul3A_121 : f32 to vector<16xf32>
      %mul3A_123 = arith.mulf %mul3A_122, %max3A_39 : vector<16xf32>
      %mul3A_124 = arith.mulf %mul3A_123, %mul3A_120 : vector<16xf32>
      %mul3A_125 = arith.mulf %mul3A_124, %mul3A_120 : vector<16xf32>
      %sub3A_126 = arith.constant 1.500000e+00 : f32
      %sub3A_127 = vector.broadcast %sub3A_126 : f32 to vector<16xf32>
      %sub3A_128 = arith.subf %sub3A_127, %mul3A_125 : vector<16xf32>
      %mul3A_129 = arith.mulf %mul3A_120, %sub3A_128 : vector<16xf32>
      %gt3A = arith.constant 0.000000e+00 : f32
      %gt3A_130 = vector.broadcast %gt3A : f32 to vector<16xf32>
      %gt3A_131 = arith.cmpf ogt, %add3A, %gt3A_130 : vector<16xf32>
      %jit3A_132 = arith.constant 0.000000e+00 : f32
      %broadcast_in_dim3A_133 = vector.broadcast %jit3A_132 : f32 to vector<16xf32>
      %select_n3A_134 = arith.select %gt3A_131, %mul3A_129, %broadcast_in_dim3A_133 : vector<16xi1>, vector<16xf32>
      %swap3A_135 = arith.constant 0 : index
      %swap3A_136 = tpu.vector_load %arg5[%swap3A_135] {strides = array<i32>} : memref<16xf32, #tpu.memory_space<vmem>>, vector<16xf32>,
      tpu.vector_store %arg5[%swap3A_135], %select_n3A_134 {strides = array<i32>} : memref<16xf32, #tpu.memory_space<vmem>>, vector<16xf32>,
      %gather3A = tpu.vector_load_idx %arg5[%get3A_22] : memref<16xf32, #tpu.memory_space<vmem>>[vector<16xi32>], vector<16xf32>,
      %gather3A_137 = tpu.vector_load_idx %arg5[%get3A_26] : memref<16xf32, #tpu.memory_space<vmem>>[vector<16xi32>], vector<16xf32>,
      %mul3A_138 = arith.mulf %gather3A, %gather3A_137 : vector<16xf32>
      %gather3A_139 = tpu.vector_load_idx %arg5[%get3A_24] : memref<16xf32, #tpu.memory_space<vmem>>[vector<16xi32>], vector<16xf32>,
      %gather3A_140 = tpu.vector_load_idx %arg5[%get3A_28] : memref<16xf32, #tpu.memory_space<vmem>>[vector<16xi32>], vector<16xf32>,
      %mul3A_141 = arith.mulf %gather3A_139, %gather3A_140 : vector<16xf32>
      %mul3A_142 = arith.constant 8 : i32
      %mul3A_143 = vector.broadcast %mul3A_142 : i32 to vector<16xi32>
      %mul3A_144 = arith.muli %get3A_26, %mul3A_143 : vector<16xi32>
      %add3A_145 = arith.addi %mul3A_144, %get3A_22 : vector<16xi32>
      tpu.vector_store_idx %arg7[%add3A_145], %mul3A_138 {add = true} : memref<64xf32, #tpu.memory_space<vmem>>[vector<16xi32>], vector<16xf32>,
      %mul3A_146 = arith.constant 8 : i32
      %mul3A_147 = vector.broadcast %mul3A_146 : i32 to vector<16xi32>
      %mul3A_148 = arith.muli %get3A_28, %mul3A_147 : vector<16xi32>
      %add3A_149 = arith.addi %mul3A_148, %get3A_24 : vector<16xi32>
      tpu.vector_store_idx %arg7[%add3A_149], %mul3A_141 {add = true} : memref<64xf32, #tpu.memory_space<vmem>>[vector<16xi32>], vector<16xf32>,
      %mul3A_150 = arith.constant 9 : i32
      %mul3A_151 = vector.broadcast %mul3A_150 : i32 to vector<16xi32>
      %mul3A_152 = arith.muli %iota3A, %mul3A_151 : vector<16xi32>
      %mul3A_153 = arith.mulf %select_n3A_134, %select_n3A_134 : vector<16xf32>
      %lt3A_154 = arith.constant 7 : i32
      %lt3A_155 = vector.broadcast %lt3A_154 : i32 to vector<16xi32>
      %lt3A_156 = arith.cmpi slt, %iota3A, %lt3A_155 : vector<16xi32>
      tpu.vector_store_idx %arg7[%mul3A_152], %mul3A_153 masked %lt3A_156 {add = true} : memref<64xf32, #tpu.memory_space<vmem>>[vector<16xi32>], vector<16xf32>, vector<16xi1>
      "tpu.region"() ({
        %run_scoped3A = tpu.sem_alloc : memref<!tpu.dma_semaphore, #tpu.memory_space<semaphore_mem>>
        tpu.enqueue_dma source(%arg7 : memref<64xf32, #tpu.memory_space<vmem>>) target(%arg3 : memref<64xf32, #tpu.memory_space<hbm>>) target_semaphore(%run_scoped3A : memref<!tpu.dma_semaphore, #tpu.memory_space<semaphore_mem>>)
        tpu.wait_dma2 semaphore(%run_scoped3A : memref<!tpu.dma_semaphore, #tpu.memory_space<semaphore_mem>>) src(%arg7 : memref<64xf32, #tpu.memory_space<vmem>>) dst(%arg3 : memref<64xf32, #tpu.memory_space<hbm>>)
        tpu.yield
      }) : () -> ()
    } else {
    }
    return
  }
}

module attributes {stable_mosaic.version = 14 : i64} {
  func.func @_gnn_tc(%arg0: memref<8x8xf32, #tpu.memory_space<any>>, %arg1: memref<224x7xf32, #tpu.memory_space<any>>, %arg2: memref<224x64xf32, #tpu.memory_space<any>>, %arg3: memref<1x64xf32, #tpu.memory_space<any>>, %arg4: memref<64x256xf32, #tpu.memory_space<any>>, %arg5: memref<1x256xf32, #tpu.memory_space<any>>, %arg6: memref<1792x576xf32, #tpu.memory_space<any>>, %arg7: memref<1x576xf32, #tpu.memory_space<any>>, %arg8: memref<1x576xf32, #tpu.memory_space<vmem>>, %arg9: memref<8x8xf32, #tpu.memory_space<vmem>>, %arg10: memref<224x7xf32, #tpu.memory_space<vmem>>, %arg11: memref<224x64xf32, #tpu.memory_space<vmem>>, %arg12: memref<1x64xf32, #tpu.memory_space<vmem>>, %arg13: memref<64x256xf32, #tpu.memory_space<vmem>>, %arg14: memref<1x256xf32, #tpu.memory_space<vmem>>, %arg15: memref<1792x576xf32, #tpu.memory_space<vmem>>, %arg16: memref<1x576xf32, #tpu.memory_space<vmem>>, %arg17: memref<8x!tpu.dma_semaphore, #tpu.memory_space<semaphore_mem>>) attributes {dimension_semantics = [], scalar_prefetch = 0 : i64, scratch_operands = 9 : i64, tpu.core_type = #tpu.core_type<tc>} {
    %dma_start3A = arith.constant 0 : i32
    %dma_start3A_0 = tpu.memref_slice %arg17[%dma_start3A] : memref<8x!tpu.dma_semaphore, #tpu.memory_space<semaphore_mem>> -> memref<1x!tpu.dma_semaphore, #tpu.memory_space<semaphore_mem>>
    %dma_start3A_1 = tpu.memref_squeeze %dma_start3A_0 : memref<1x!tpu.dma_semaphore, #tpu.memory_space<semaphore_mem>> -> memref<!tpu.dma_semaphore, #tpu.memory_space<semaphore_mem>>
    tpu.enqueue_dma source(%arg6 : memref<1792x576xf32, #tpu.memory_space<any>>) target(%arg15 : memref<1792x576xf32, #tpu.memory_space<vmem>>) target_semaphore(%dma_start3A_1 : memref<!tpu.dma_semaphore, #tpu.memory_space<semaphore_mem>>)
    %dma_start3A_2 = arith.constant 1 : i32
    %dma_start3A_3 = tpu.memref_slice %arg17[%dma_start3A_2] : memref<8x!tpu.dma_semaphore, #tpu.memory_space<semaphore_mem>> -> memref<1x!tpu.dma_semaphore, #tpu.memory_space<semaphore_mem>>
    %dma_start3A_4 = tpu.memref_squeeze %dma_start3A_3 : memref<1x!tpu.dma_semaphore, #tpu.memory_space<semaphore_mem>> -> memref<!tpu.dma_semaphore, #tpu.memory_space<semaphore_mem>>
    tpu.enqueue_dma source(%arg0 : memref<8x8xf32, #tpu.memory_space<any>>) target(%arg9 : memref<8x8xf32, #tpu.memory_space<vmem>>) target_semaphore(%dma_start3A_4 : memref<!tpu.dma_semaphore, #tpu.memory_space<semaphore_mem>>)
    %dma_start3A_5 = arith.constant 2 : i32
    %dma_start3A_6 = tpu.memref_slice %arg17[%dma_start3A_5] : memref<8x!tpu.dma_semaphore, #tpu.memory_space<semaphore_mem>> -> memref<1x!tpu.dma_semaphore, #tpu.memory_space<semaphore_mem>>
    %dma_start3A_7 = tpu.memref_squeeze %dma_start3A_6 : memref<1x!tpu.dma_semaphore, #tpu.memory_space<semaphore_mem>> -> memref<!tpu.dma_semaphore, #tpu.memory_space<semaphore_mem>>
    tpu.enqueue_dma source(%arg1 : memref<224x7xf32, #tpu.memory_space<any>>) target(%arg10 : memref<224x7xf32, #tpu.memory_space<vmem>>) target_semaphore(%dma_start3A_7 : memref<!tpu.dma_semaphore, #tpu.memory_space<semaphore_mem>>)
    %dma_start3A_8 = arith.constant 3 : i32
    %dma_start3A_9 = tpu.memref_slice %arg17[%dma_start3A_8] : memref<8x!tpu.dma_semaphore, #tpu.memory_space<semaphore_mem>> -> memref<1x!tpu.dma_semaphore, #tpu.memory_space<semaphore_mem>>
    %dma_start3A_10 = tpu.memref_squeeze %dma_start3A_9 : memref<1x!tpu.dma_semaphore, #tpu.memory_space<semaphore_mem>> -> memref<!tpu.dma_semaphore, #tpu.memory_space<semaphore_mem>>
    tpu.enqueue_dma source(%arg2 : memref<224x64xf32, #tpu.memory_space<any>>) target(%arg11 : memref<224x64xf32, #tpu.memory_space<vmem>>) target_semaphore(%dma_start3A_10 : memref<!tpu.dma_semaphore, #tpu.memory_space<semaphore_mem>>)
    %dma_start3A_11 = arith.constant 4 : i32
    %dma_start3A_12 = tpu.memref_slice %arg17[%dma_start3A_11] : memref<8x!tpu.dma_semaphore, #tpu.memory_space<semaphore_mem>> -> memref<1x!tpu.dma_semaphore, #tpu.memory_space<semaphore_mem>>
    %dma_start3A_13 = tpu.memref_squeeze %dma_start3A_12 : memref<1x!tpu.dma_semaphore, #tpu.memory_space<semaphore_mem>> -> memref<!tpu.dma_semaphore, #tpu.memory_space<semaphore_mem>>
    tpu.enqueue_dma source(%arg3 : memref<1x64xf32, #tpu.memory_space<any>>) target(%arg12 : memref<1x64xf32, #tpu.memory_space<vmem>>) target_semaphore(%dma_start3A_13 : memref<!tpu.dma_semaphore, #tpu.memory_space<semaphore_mem>>)
    %dma_start3A_14 = arith.constant 5 : i32
    %dma_start3A_15 = tpu.memref_slice %arg17[%dma_start3A_14] : memref<8x!tpu.dma_semaphore, #tpu.memory_space<semaphore_mem>> -> memref<1x!tpu.dma_semaphore, #tpu.memory_space<semaphore_mem>>
    %dma_start3A_16 = tpu.memref_squeeze %dma_start3A_15 : memref<1x!tpu.dma_semaphore, #tpu.memory_space<semaphore_mem>> -> memref<!tpu.dma_semaphore, #tpu.memory_space<semaphore_mem>>
    tpu.enqueue_dma source(%arg4 : memref<64x256xf32, #tpu.memory_space<any>>) target(%arg13 : memref<64x256xf32, #tpu.memory_space<vmem>>) target_semaphore(%dma_start3A_16 : memref<!tpu.dma_semaphore, #tpu.memory_space<semaphore_mem>>)
    %dma_start3A_17 = arith.constant 6 : i32
    %dma_start3A_18 = tpu.memref_slice %arg17[%dma_start3A_17] : memref<8x!tpu.dma_semaphore, #tpu.memory_space<semaphore_mem>> -> memref<1x!tpu.dma_semaphore, #tpu.memory_space<semaphore_mem>>
    %dma_start3A_19 = tpu.memref_squeeze %dma_start3A_18 : memref<1x!tpu.dma_semaphore, #tpu.memory_space<semaphore_mem>> -> memref<!tpu.dma_semaphore, #tpu.memory_space<semaphore_mem>>
    tpu.enqueue_dma source(%arg5 : memref<1x256xf32, #tpu.memory_space<any>>) target(%arg14 : memref<1x256xf32, #tpu.memory_space<vmem>>) target_semaphore(%dma_start3A_19 : memref<!tpu.dma_semaphore, #tpu.memory_space<semaphore_mem>>)
    %dma_start3A_20 = arith.constant 7 : i32
    %dma_start3A_21 = tpu.memref_slice %arg17[%dma_start3A_20] : memref<8x!tpu.dma_semaphore, #tpu.memory_space<semaphore_mem>> -> memref<1x!tpu.dma_semaphore, #tpu.memory_space<semaphore_mem>>
    %dma_start3A_22 = tpu.memref_squeeze %dma_start3A_21 : memref<1x!tpu.dma_semaphore, #tpu.memory_space<semaphore_mem>> -> memref<!tpu.dma_semaphore, #tpu.memory_space<semaphore_mem>>
    tpu.enqueue_dma source(%arg7 : memref<1x576xf32, #tpu.memory_space<any>>) target(%arg16 : memref<1x576xf32, #tpu.memory_space<vmem>>) target_semaphore(%dma_start3A_22 : memref<!tpu.dma_semaphore, #tpu.memory_space<semaphore_mem>>)
    %dma_wait3A = arith.constant 1 : i32
    %dma_wait3A_23 = tpu.memref_slice %arg17[%dma_wait3A] : memref<8x!tpu.dma_semaphore, #tpu.memory_space<semaphore_mem>> -> memref<1x!tpu.dma_semaphore, #tpu.memory_space<semaphore_mem>>
    %dma_wait3A_24 = tpu.memref_squeeze %dma_wait3A_23 : memref<1x!tpu.dma_semaphore, #tpu.memory_space<semaphore_mem>> -> memref<!tpu.dma_semaphore, #tpu.memory_space<semaphore_mem>>
    tpu.wait_dma2 semaphore(%dma_wait3A_24 : memref<!tpu.dma_semaphore, #tpu.memory_space<semaphore_mem>>) src(%arg0 : memref<8x8xf32, #tpu.memory_space<any>>) dst(%arg9 : memref<8x8xf32, #tpu.memory_space<vmem>>)
    %dma_wait3A_25 = arith.constant 2 : i32
    %dma_wait3A_26 = tpu.memref_slice %arg17[%dma_wait3A_25] : memref<8x!tpu.dma_semaphore, #tpu.memory_space<semaphore_mem>> -> memref<1x!tpu.dma_semaphore, #tpu.memory_space<semaphore_mem>>
    %dma_wait3A_27 = tpu.memref_squeeze %dma_wait3A_26 : memref<1x!tpu.dma_semaphore, #tpu.memory_space<semaphore_mem>> -> memref<!tpu.dma_semaphore, #tpu.memory_space<semaphore_mem>>
    tpu.wait_dma2 semaphore(%dma_wait3A_27 : memref<!tpu.dma_semaphore, #tpu.memory_space<semaphore_mem>>) src(%arg1 : memref<224x7xf32, #tpu.memory_space<any>>) dst(%arg10 : memref<224x7xf32, #tpu.memory_space<vmem>>)
    %dma_wait3A_28 = arith.constant 3 : i32
    %dma_wait3A_29 = tpu.memref_slice %arg17[%dma_wait3A_28] : memref<8x!tpu.dma_semaphore, #tpu.memory_space<semaphore_mem>> -> memref<1x!tpu.dma_semaphore, #tpu.memory_space<semaphore_mem>>
    %dma_wait3A_30 = tpu.memref_squeeze %dma_wait3A_29 : memref<1x!tpu.dma_semaphore, #tpu.memory_space<semaphore_mem>> -> memref<!tpu.dma_semaphore, #tpu.memory_space<semaphore_mem>>
    tpu.wait_dma2 semaphore(%dma_wait3A_30 : memref<!tpu.dma_semaphore, #tpu.memory_space<semaphore_mem>>) src(%arg2 : memref<224x64xf32, #tpu.memory_space<any>>) dst(%arg11 : memref<224x64xf32, #tpu.memory_space<vmem>>)
    %dma_wait3A_31 = arith.constant 4 : i32
    %dma_wait3A_32 = tpu.memref_slice %arg17[%dma_wait3A_31] : memref<8x!tpu.dma_semaphore, #tpu.memory_space<semaphore_mem>> -> memref<1x!tpu.dma_semaphore, #tpu.memory_space<semaphore_mem>>
    %dma_wait3A_33 = tpu.memref_squeeze %dma_wait3A_32 : memref<1x!tpu.dma_semaphore, #tpu.memory_space<semaphore_mem>> -> memref<!tpu.dma_semaphore, #tpu.memory_space<semaphore_mem>>
    tpu.wait_dma2 semaphore(%dma_wait3A_33 : memref<!tpu.dma_semaphore, #tpu.memory_space<semaphore_mem>>) src(%arg3 : memref<1x64xf32, #tpu.memory_space<any>>) dst(%arg12 : memref<1x64xf32, #tpu.memory_space<vmem>>)
    %dma_wait3A_34 = arith.constant 5 : i32
    %dma_wait3A_35 = tpu.memref_slice %arg17[%dma_wait3A_34] : memref<8x!tpu.dma_semaphore, #tpu.memory_space<semaphore_mem>> -> memref<1x!tpu.dma_semaphore, #tpu.memory_space<semaphore_mem>>
    %dma_wait3A_36 = tpu.memref_squeeze %dma_wait3A_35 : memref<1x!tpu.dma_semaphore, #tpu.memory_space<semaphore_mem>> -> memref<!tpu.dma_semaphore, #tpu.memory_space<semaphore_mem>>
    tpu.wait_dma2 semaphore(%dma_wait3A_36 : memref<!tpu.dma_semaphore, #tpu.memory_space<semaphore_mem>>) src(%arg4 : memref<64x256xf32, #tpu.memory_space<any>>) dst(%arg13 : memref<64x256xf32, #tpu.memory_space<vmem>>)
    %dma_wait3A_37 = arith.constant 6 : i32
    %dma_wait3A_38 = tpu.memref_slice %arg17[%dma_wait3A_37] : memref<8x!tpu.dma_semaphore, #tpu.memory_space<semaphore_mem>> -> memref<1x!tpu.dma_semaphore, #tpu.memory_space<semaphore_mem>>
    %dma_wait3A_39 = tpu.memref_squeeze %dma_wait3A_38 : memref<1x!tpu.dma_semaphore, #tpu.memory_space<semaphore_mem>> -> memref<!tpu.dma_semaphore, #tpu.memory_space<semaphore_mem>>
    tpu.wait_dma2 semaphore(%dma_wait3A_39 : memref<!tpu.dma_semaphore, #tpu.memory_space<semaphore_mem>>) src(%arg5 : memref<1x256xf32, #tpu.memory_space<any>>) dst(%arg14 : memref<1x256xf32, #tpu.memory_space<vmem>>)
    %dma_wait3A_40 = arith.constant 7 : i32
    %dma_wait3A_41 = tpu.memref_slice %arg17[%dma_wait3A_40] : memref<8x!tpu.dma_semaphore, #tpu.memory_space<semaphore_mem>> -> memref<1x!tpu.dma_semaphore, #tpu.memory_space<semaphore_mem>>
    %dma_wait3A_42 = tpu.memref_squeeze %dma_wait3A_41 : memref<1x!tpu.dma_semaphore, #tpu.memory_space<semaphore_mem>> -> memref<!tpu.dma_semaphore, #tpu.memory_space<semaphore_mem>>
    tpu.wait_dma2 semaphore(%dma_wait3A_42 : memref<!tpu.dma_semaphore, #tpu.memory_space<semaphore_mem>>) src(%arg7 : memref<1x576xf32, #tpu.memory_space<any>>) dst(%arg16 : memref<1x576xf32, #tpu.memory_space<vmem>>)
    %get3A = arith.constant 0 : index
    %get3A_43 = arith.constant 0 : index
    %get3A_44 = vector.load %arg9[%get3A, %get3A_43] : memref<8x8xf32, #tpu.memory_space<vmem>>, vector<8x8xf32>
    %get3A_45 = arith.constant 0 : index
    %get3A_46 = arith.constant 0 : index
    %get3A_47 = vector.load %arg10[%get3A_45, %get3A_46] : memref<224x7xf32, #tpu.memory_space<vmem>>, vector<224x7xf32>
    %get3A_48 = arith.constant 0 : index
    %get3A_49 = arith.constant 0 : index
    %get3A_50 = vector.load %arg11[%get3A_48, %get3A_49] : memref<224x64xf32, #tpu.memory_space<vmem>>, vector<224x64xf32>
    %dot_general3A = arith.constant dense<0.000000e+00> : vector<7x64xf32>
    %dot_general3A_51 = tpu.matmul %get3A_47, %get3A_50, %dot_general3A {dimension_numbers = #tpu.dot_dimension_numbers<[0], [0], [1], [1], [0, 1, 1, 1], [], []>, transpose_lhs_hint = false} : vector<224x7xf32>, vector<224x64xf32>, vector<7x64xf32> -> vector<7x64xf32>
    %jit3A = arith.constant 0 : i32
    %convert_element_type3A = arith.sitofp %jit3A : i32 to f32
    %pad3A = vector.broadcast %convert_element_type3A : f32 to vector<1x64xf32>
    %pad3A_52 = tpu.concatenate %dot_general3A_51, %pad3A in 0 : vector<7x64xf32>, vector<1x64xf32> -> vector<8x64xf32>
    %dot_general3A_53 = arith.constant dense<0.000000e+00> : vector<8x64xf32>
    %dot_general3A_54 = tpu.matmul %get3A_44, %pad3A_52, %dot_general3A_53 {dimension_numbers = #tpu.dot_dimension_numbers<[1], [0], [0], [1], [0, 0, 1, 1], [], []>, transpose_lhs_hint = false} : vector<8x8xf32>, vector<8x64xf32>, vector<8x64xf32> -> vector<8x64xf32>
    %get3A_55 = arith.constant 0 : index
    %get3A_56 = arith.constant 0 : index
    %get3A_57 = vector.load %arg12[%get3A_55, %get3A_56] : memref<1x64xf32, #tpu.memory_space<vmem>>, vector<1x64xf32>
    %add3A = vector.broadcast %get3A_57 : vector<1x64xf32> to vector<8x64xf32>
    %add3A_58 = arith.addf %dot_general3A_54, %add3A : vector<8x64xf32>
    %max3A = arith.constant 0.000000e+00 : f32
    %max3A_59 = vector.broadcast %max3A : f32 to vector<8x64xf32>
    %max3A_60 = arith.maximumf %add3A_58, %max3A_59 : vector<8x64xf32>
    %get3A_61 = arith.constant 0 : index
    %get3A_62 = arith.constant 0 : index
    %get3A_63 = vector.load %arg13[%get3A_61, %get3A_62] : memref<64x256xf32, #tpu.memory_space<vmem>>, vector<64x256xf32>
    %dot_general3A_64 = arith.constant dense<0.000000e+00> : vector<8x256xf32>
    %dot_general3A_65 = tpu.matmul %max3A_60, %get3A_63, %dot_general3A_64 {dimension_numbers = #tpu.dot_dimension_numbers<[1], [0], [0], [1], [0, 0, 1, 1], [], []>, transpose_lhs_hint = false} : vector<8x64xf32>, vector<64x256xf32>, vector<8x256xf32> -> vector<8x256xf32>
    %dot_general3A_66 = arith.constant dense<0.000000e+00> : vector<8x256xf32>
    %dot_general3A_67 = tpu.matmul %get3A_44, %dot_general3A_65, %dot_general3A_66 {dimension_numbers = #tpu.dot_dimension_numbers<[1], [0], [0], [1], [0, 0, 1, 1], [], []>, transpose_lhs_hint = false} : vector<8x8xf32>, vector<8x256xf32>, vector<8x256xf32> -> vector<8x256xf32>
    %get3A_68 = arith.constant 0 : index
    %get3A_69 = arith.constant 0 : index
    %get3A_70 = vector.load %arg14[%get3A_68, %get3A_69] : memref<1x256xf32, #tpu.memory_space<vmem>>, vector<1x256xf32>
    %add3A_71 = vector.broadcast %get3A_70 : vector<1x256xf32> to vector<8x256xf32>
    %add3A_72 = arith.addf %dot_general3A_67, %add3A_71 : vector<8x256xf32>
    %max3A_73 = arith.constant 0.000000e+00 : f32
    %max3A_74 = vector.broadcast %max3A_73 : f32 to vector<8x256xf32>
    %max3A_75 = arith.maximumf %add3A_72, %max3A_74 : vector<8x256xf32>
    %dma_wait3A_76 = arith.constant 0 : i32
    %dma_wait3A_77 = tpu.memref_slice %arg17[%dma_wait3A_76] : memref<8x!tpu.dma_semaphore, #tpu.memory_space<semaphore_mem>> -> memref<1x!tpu.dma_semaphore, #tpu.memory_space<semaphore_mem>>
    %dma_wait3A_78 = tpu.memref_squeeze %dma_wait3A_77 : memref<1x!tpu.dma_semaphore, #tpu.memory_space<semaphore_mem>> -> memref<!tpu.dma_semaphore, #tpu.memory_space<semaphore_mem>>
    tpu.wait_dma2 semaphore(%dma_wait3A_78 : memref<!tpu.dma_semaphore, #tpu.memory_space<semaphore_mem>>) src(%arg6 : memref<1792x576xf32, #tpu.memory_space<any>>) dst(%arg15 : memref<1792x576xf32, #tpu.memory_space<vmem>>)
    %get3A_79 = arith.constant 0 : index
    %get3A_80 = arith.constant 0 : index
    %get3A_81 = vector.load %arg16[%get3A_79, %get3A_80] : memref<1x576xf32, #tpu.memory_space<vmem>>, vector<1x576xf32>
    %slice3A = vector.extract_strided_slice %max3A_75 {offsets = [0, 0], sizes = [1, 256], strides = [1, 1]} : vector<8x256xf32> to vector<1x256xf32>
    %get3A_82 = arith.constant 0 : index
    %get3A_83 = arith.constant 0 : index
    %get3A_84 = vector.load %arg15[%get3A_82, %get3A_83] : memref<1792x576xf32, #tpu.memory_space<vmem>>, vector<256x576xf32>
    %dot_general3A_85 = arith.constant dense<0.000000e+00> : vector<1x576xf32>
    %dot_general3A_86 = tpu.matmul %slice3A, %get3A_84, %dot_general3A_85 {dimension_numbers = #tpu.dot_dimension_numbers<[1], [0], [0], [1], [0, 0, 1, 1], [], []>, transpose_lhs_hint = false} : vector<1x256xf32>, vector<256x576xf32>, vector<1x576xf32> -> vector<1x576xf32>
    %add3A_87 = arith.addf %get3A_81, %dot_general3A_86 : vector<1x576xf32>
    %slice3A_88 = vector.extract_strided_slice %max3A_75 {offsets = [1, 0], sizes = [1, 256], strides = [1, 1]} : vector<8x256xf32> to vector<1x256xf32>
    %get3A_89 = arith.constant 256 : index
    %get3A_90 = arith.constant 0 : index
    %get3A_91 = vector.load %arg15[%get3A_89, %get3A_90] : memref<1792x576xf32, #tpu.memory_space<vmem>>, vector<256x576xf32>
    %dot_general3A_92 = arith.constant dense<0.000000e+00> : vector<1x576xf32>
    %dot_general3A_93 = tpu.matmul %slice3A_88, %get3A_91, %dot_general3A_92 {dimension_numbers = #tpu.dot_dimension_numbers<[1], [0], [0], [1], [0, 0, 1, 1], [], []>, transpose_lhs_hint = false} : vector<1x256xf32>, vector<256x576xf32>, vector<1x576xf32> -> vector<1x576xf32>
    %add3A_94 = arith.addf %add3A_87, %dot_general3A_93 : vector<1x576xf32>
    %slice3A_95 = vector.extract_strided_slice %max3A_75 {offsets = [2, 0], sizes = [1, 256], strides = [1, 1]} : vector<8x256xf32> to vector<1x256xf32>
    %get3A_96 = arith.constant 512 : index
    %get3A_97 = arith.constant 0 : index
    %get3A_98 = vector.load %arg15[%get3A_96, %get3A_97] : memref<1792x576xf32, #tpu.memory_space<vmem>>, vector<256x576xf32>
    %dot_general3A_99 = arith.constant dense<0.000000e+00> : vector<1x576xf32>
    %dot_general3A_100 = tpu.matmul %slice3A_95, %get3A_98, %dot_general3A_99 {dimension_numbers = #tpu.dot_dimension_numbers<[1], [0], [0], [1], [0, 0, 1, 1], [], []>, transpose_lhs_hint = false} : vector<1x256xf32>, vector<256x576xf32>, vector<1x576xf32> -> vector<1x576xf32>
    %add3A_101 = arith.addf %add3A_94, %dot_general3A_100 : vector<1x576xf32>
    %slice3A_102 = vector.extract_strided_slice %max3A_75 {offsets = [3, 0], sizes = [1, 256], strides = [1, 1]} : vector<8x256xf32> to vector<1x256xf32>
    %get3A_103 = arith.constant 768 : index
    %get3A_104 = arith.constant 0 : index
    %get3A_105 = vector.load %arg15[%get3A_103, %get3A_104] : memref<1792x576xf32, #tpu.memory_space<vmem>>, vector<256x576xf32>
    %dot_general3A_106 = arith.constant dense<0.000000e+00> : vector<1x576xf32>
    %dot_general3A_107 = tpu.matmul %slice3A_102, %get3A_105, %dot_general3A_106 {dimension_numbers = #tpu.dot_dimension_numbers<[1], [0], [0], [1], [0, 0, 1, 1], [], []>, transpose_lhs_hint = false} : vector<1x256xf32>, vector<256x576xf32>, vector<1x576xf32> -> vector<1x576xf32>
    %add3A_108 = arith.addf %add3A_101, %dot_general3A_107 : vector<1x576xf32>
    %slice3A_109 = vector.extract_strided_slice %max3A_75 {offsets = [4, 0], sizes = [1, 256], strides = [1, 1]} : vector<8x256xf32> to vector<1x256xf32>
    %get3A_110 = arith.constant 1024 : index
    %get3A_111 = arith.constant 0 : index
    %get3A_112 = vector.load %arg15[%get3A_110, %get3A_111] : memref<1792x576xf32, #tpu.memory_space<vmem>>, vector<256x576xf32>
    %dot_general3A_113 = arith.constant dense<0.000000e+00> : vector<1x576xf32>
    %dot_general3A_114 = tpu.matmul %slice3A_109, %get3A_112, %dot_general3A_113 {dimension_numbers = #tpu.dot_dimension_numbers<[1], [0], [0], [1], [0, 0, 1, 1], [], []>, transpose_lhs_hint = false} : vector<1x256xf32>, vector<256x576xf32>, vector<1x576xf32> -> vector<1x576xf32>
    %add3A_115 = arith.addf %add3A_108, %dot_general3A_114 : vector<1x576xf32>
    %slice3A_116 = vector.extract_strided_slice %max3A_75 {offsets = [5, 0], sizes = [1, 256], strides = [1, 1]} : vector<8x256xf32> to vector<1x256xf32>
    %get3A_117 = arith.constant 1280 : index
    %get3A_118 = arith.constant 0 : index
    %get3A_119 = vector.load %arg15[%get3A_117, %get3A_118] : memref<1792x576xf32, #tpu.memory_space<vmem>>, vector<256x576xf32>
    %dot_general3A_120 = arith.constant dense<0.000000e+00> : vector<1x576xf32>
    %dot_general3A_121 = tpu.matmul %slice3A_116, %get3A_119, %dot_general3A_120 {dimension_numbers = #tpu.dot_dimension_numbers<[1], [0], [0], [1], [0, 0, 1, 1], [], []>, transpose_lhs_hint = false} : vector<1x256xf32>, vector<256x576xf32>, vector<1x576xf32> -> vector<1x576xf32>
    %add3A_122 = arith.addf %add3A_115, %dot_general3A_121 : vector<1x576xf32>
    %slice3A_123 = vector.extract_strided_slice %max3A_75 {offsets = [6, 0], sizes = [1, 256], strides = [1, 1]} : vector<8x256xf32> to vector<1x256xf32>
    %get3A_124 = arith.constant 1536 : index
    %get3A_125 = arith.constant 0 : index
    %get3A_126 = vector.load %arg15[%get3A_124, %get3A_125] : memref<1792x576xf32, #tpu.memory_space<vmem>>, vector<256x576xf32>
    %dot_general3A_127 = arith.constant dense<0.000000e+00> : vector<1x576xf32>
    %dot_general3A_128 = tpu.matmul %slice3A_123, %get3A_126, %dot_general3A_127 {dimension_numbers = #tpu.dot_dimension_numbers<[1], [0], [0], [1], [0, 0, 1, 1], [], []>, transpose_lhs_hint = false} : vector<1x256xf32>, vector<256x576xf32>, vector<1x576xf32> -> vector<1x576xf32>
    %add3A_129 = arith.addf %add3A_122, %dot_general3A_128 : vector<1x576xf32>
    %swap3A = arith.constant 0 : index
    %swap3A_130 = arith.constant 0 : index
    %swap3A_131 = vector.load %arg8[%swap3A, %swap3A_130] : memref<1x576xf32, #tpu.memory_space<vmem>>, vector<1x576xf32>
    tpu.vector_store %arg8[%swap3A, %swap3A_130], %add3A_129 {strides = array<i32>} : memref<1x576xf32, #tpu.memory_space<vmem>>, vector<1x576xf32>,
    return
  }
}

</mosaic_0001>

<sc_bundles>
// kernel: kernel.4.cloned.1.call-start
scs
__scs_entry_jumppad:
0x0: {  	(pc) =	sbr.rel $0x88, $3  }
0x1: {  	(tag) =	ssettag $0x0;
	lr =	simm.s32 $0x1  }
0x2: {  	[smem:$0x3F99] =	sst lr;
	_ =	strace $0xD0000000  }
0x3: {  	_ = 	snop  }
0x4: {  	_ = 	snop  }
0x5: {  	_ = 	snop  }
0x6: {  	_ = 	snop  }
0x7: {  	_ = 	snop  }
__scs_overlays_trampoline_lowered:
0x8: {  	[smem:$0x3FA8] =	sst s0  }
0x9: {  	[smem:$0x3FA9] =	sst s1  }
0xa: {  	[smem:$0x3FAA] =	sst s2  }
0xb: {  	[smem:$0x3FAB] =	sst s3  }
0xc: {  	[smem:$0x3FAC] =	sst s4  }
0xd: {  	[smem:$0x3FAD] =	sst s5  }
0xe: {  	[smem:$0x3FAE] =	sst s6  }
0xf: {  	[smem:$0x3FAF] =	sst s7  }
0x10: {  	[smem:$0x3FB0] =	sst s8  }
0x11: {  	[smem:$0x3FB1] =	sst s9;
	s0 =	simm.s32 @!p0 $0x0  }
0x12: {  	s1 =	sld [smem:$0x3F97];
	s0 =	simm.s32 @p0 $0x1  }
0x13: {  	[smem:$0x3FB2] =	sst s0;
	s0 =	simm.s32 @!p1 $0x0  }
0x14: {  	s2 =	sld [smem:$0x3F96];
	s0 =	simm.s32 @p1 $0x1  }
0x15: {  	[smem:$0x3FB3] =	sst s0;
	s0 =	simm.s32 @!p2 $0x0  }
0x16: {  	s3 =	sld [smem:$0x3FDB];
	s0 =	simm.s32 @p2 $0x1  }
0x17: {  	s4 =	simm.s32 $0x1BF5;
	[smem:$0x3FB5] =	sst s0  }
0x18: {  	s0 =	sld [smem:$0x3F98];
	_ =	swait.ge [sflag:s4], $0x0  }
0x19: {  	s7 =	sld [smem:$0x3F99]  }
0x1a: {  	s8 =	sadd.s32 $0xFFFFE003, lr  }
0x1b: {  	s9 =	sadd.s32 $0xFFFFFEF7, lr;
	s5 =	simm.s32 $0xFFFFFFFF;
	p2 =	slt.u32 s8, $0xFFFFF086  }
0x1c: {  	p1 =	slt.u32 s9, $0xF7A;
	s5 =	simm.s32 @!p2 $0x0  }
0x1d: {  	s5 =	simm.s32 @p1 $0x1;
	p0 =	seq.s32 s7, s2  }
0x1e: {  	s7 =	smul.u32 @!p0 $0xF7A, s2;
	p2 =	seq.s32 @!p0 s5, $0x0  }
0x1f: {  	s9 =	smul.u32 $0xF7A, s1;
	s8 =	simm.s32 @!p0 $0x1BF5;
	p2 =	por !p2, p0  }
0x20: {  	[sflag:s8] =	ssyncset.s32 @!p0 $0xFFFFF086;
	s6 =	sadd.s32 @!p0 s3, s7;
	s7 =	simm.s32 @!p0 $0x108  }
0x21: {  	s3 =	sadd.s32 s3, s9;
	s6 =	sadd.s32 @!p0 $0x88, s6;
	s7 =	simm.s32 @p2 $0x1082  }
0x22: {  	[simem:s7], [sflag:s8] =	dma.local @!p0 [hbm:s6], $0xF7A  }
0x23: {  	s9 =	sor.u32 $0xD0000000, s2;
	s6 =	simm.s32 $0x108;
	_ =	swait.ge @!p0 [sflag:s8], $0x0  }
0x24: {  	s3 =	sadd.s32 $0x88, s3;
	s6 =	simm.s32 @!p1 $0x1082;
	[sflag:s4] =	ssyncset.s32 $0xFFFFF086  }
0x25: {  	[simem:s6], [sflag:s4] =	dma.local [hbm:s3], $0xF7A  }
0x26: {  	[smem:$0x3F99] =	sst s1;
	(tag) =	ssettag s2;
	_ =	strace s9  }
0x27: {  	s1 =	sld [smem:$0x3FA9]  }
0x28: {  	s2 =	sld [smem:$0x3FAA]  }
0x29: {  	s4 =	sld [smem:$0x3FAC]  }
0x2a: {  	p0 =	seq.s32 s5, $0x0;
	s5 =	sld [smem:$0x3FAD]  }
0x2b: {  	s6 =	sld [smem:$0x3FAE]  }
0x2c: {  	s7 =	sld [smem:$0x3FAF]  }
0x2d: {  	s3 =	simm.s32 $0x108;
	s8 =	sld [smem:$0x3FB0]  }
0x2e: {  	s3 =	simm.s32 @!p0 $0x1082;
	s9 =	sld [smem:$0x3FB1]  }
0x2f: {  	lr =	sadd.s32 s0, s3;
	s0 =	sld [smem:$0x3FA8]  }
0x30: {  	s3 =	sld [smem:$0x3FAB]  }
0x31: {  	[smem:$0x3FB4] =	sst s10  }
0x32: {  	s10 =	sld [smem:$0x3FB2];
	_ =	sdelay $0x3  }
0x33: {  	p0 =	seq.s32 s10, $0x1;
	s10 =	sld [smem:$0x3FB4];
	_ =	sdelay $0x3  }
0x34: {  	[smem:$0x3FB4] =	sst s10  }
0x35: {  	s10 =	sld [smem:$0x3FB3];
	_ =	sdelay $0x3  }
0x36: {  	p1 =	seq.s32 s10, $0x1;
	s10 =	sld [smem:$0x3FB4];
	_ =	sdelay $0x3  }
0x37: {  	[smem:$0x3FB4] =	sst s10  }
0x38: {  	s10 =	sld [smem:$0x3FB5]  }
0x39: {  	_ = 	snop;
	(pc) =	sbr.ind lr, $3  }
0x3a: {  	_ = 	snop  }
0x3b: {  	_ = 	snop  }
0x3c: {  	p2 =	seq.s32 s10, $0x1;
	s10 =	sld [smem:$0x3FB4]  }
0x3d: {  	_ =	shalt  }
0x3e: {  	_ =	shalt  }
0x3f: {  	_ =	shalt  }
0x40: {  	_ =	shalt  }
0x41: {  	_ =	shalt  }
0x42: {  	_ =	shalt  }
0x43: {  	_ =	shalt  }
0x44: {  	_ =	shalt  }
0x45: {  	_ =	shalt  }
0x46: {  	_ =	shalt  }
0x47: {  	_ =	shalt  }
0x48: {  	_ =	shalt  }
0x49: {  	_ =	shalt  }
0x4a: {  	_ =	shalt  }
0x4b: {  	_ =	shalt  }
0x4c: {  	_ =	shalt  }
0x4d: {  	_ =	shalt  }
0x4e: {  	_ =	shalt  }
0x4f: {  	_ =	shalt  }
0x50: {  	_ =	shalt  }
0x51: {  	_ =	shalt  }
0x52: {  	_ =	shalt  }
0x53: {  	_ =	shalt  }
0x54: {  	_ =	shalt  }
0x55: {  	_ =	shalt  }
0x56: {  	_ =	shalt  }
0x57: {  	_ =	shalt  }
0x58: {  	_ =	shalt  }
0x59: {  	_ =	shalt  }
0x5a: {  	_ =	shalt  }
0x5b: {  	_ =	shalt  }
0x5c: {  	_ =	shalt  }
0x5d: {  	_ =	shalt  }
0x5e: {  	_ =	shalt  }
0x5f: {  	_ =	shalt  }
0x60: {  	_ =	shalt  }
0x61: {  	_ =	shalt  }
0x62: {  	_ =	shalt  }
0x63: {  	_ =	shalt  }
0x64: {  	_ =	shalt  }
0x65: {  	_ =	shalt  }
0x66: {  	_ =	shalt  }
0x67: {  	_ =	shalt  }
0x68: {  	_ =	shalt  }
0x69: {  	_ =	shalt  }
0x6a: {  	_ =	shalt  }
0x6b: {  	_ =	shalt  }
0x6c: {  	_ =	shalt  }
0x6d: {  	_ =	shalt  }
0x6e: {  	_ =	shalt  }
0x6f: {  	_ =	shalt  }
0x70: {  	_ =	shalt  }
0x71: {  	_ =	shalt  }
0x72: {  	_ =	shalt  }
0x73: {  	_ =	shalt  }
0x74: {  	_ =	shalt  }
0x75: {  	_ =	shalt  }
0x76: {  	_ =	shalt  }
0x77: {  	_ =	shalt  }
0x78: {  	_ =	shalt  }
0x79: {  	_ =	shalt  }
0x7a: {  	_ =	shalt  }
0x7b: {  	_ =	shalt  }
0x7c: {  	_ =	shalt  }
0x7d: {  	_ =	shalt  }
0x7e: {  	_ =	shalt  }
0x7f: {  	_ =	shalt  }
0x80: {  	_ =	shalt  }
0x81: {  	_ =	shalt  }
0x82: {  	_ =	shalt  }
0x83: {  	_ =	shalt  }
0x84: {  	_ =	shalt  }
0x85: {  	_ =	shalt  }
0x86: {  	_ =	shalt  }
0x87: {  	_ =	shalt  }
.Lfunc_end0:
.L_simem_size_0:
called_computation_lowered:
.L_overlay_start_0:
0x88: {  	s2 =	sld [smem:$0x3FD9]  }
0x89: {  	s3 =	sld [smem:$0x3FFE];
	_ =	sdelay $0x1  }
0x8a: {  	s1 =	srdreg.scid  }
0x8b: {  	s0 =	sand.u32 $0x1, s1  }
0x8c: {  	s17 =	sshll.u32 s0, $0xA;
	s2 =	sadd.s32 s3, s2  }
0x8d: {  	s2 =	sadd.s32 s2, s17  }
0x8e: {  	[smem:$0x3FC0] =	sst s2  }
0x8f: {  	_ = 	snop  }
0x90: {  	s2 =	sld [smem:$0x3FD0];
	(tm) =	ssettm $0x1  }
0x91: {  	s18 =	sld [smem:$0x3FFB];
	_ =	sdelay $0x3  }
0x92: {  	_ =	strace s18  }
0x93: {  	s3 =	sld [smem:$0x3FFC];
	_ =	sdelay $0x3  }
0x94: {  	_ =	strace s3  }
0x95: {  	s3 =	sld [smem:$0x3FFD];
	_ =	sdelay $0x3  }
0x96: {  	_ =	strace s3  }
0x97: {  	_ =	strace $0x8FFFFFFF  }
0x98: {  	s19 =	sld [smem:$0x3FDB];
	_ =	sdelay $0x1  }
0x99: {  	s4 =	simm.s32 $_scs_section_size  }
0x9a: {  	s5 =	simm.s32 $_size__tile_overlayer_lowered;
	s6 =	simm.s32 $_tile_overlayer_lowered  }
0x9b: {  	s22 =	simm.s32 $0x1BFF;
	s21 =	sshll.u32 s6, $0x1;
	s3 =	sadd.s32 s4, s19  }
0x9c: {  	s7 =	simm.s32 $0x0;
	s20 =	sshll.u32 s5, $0x1;
	s5 =	sadd.s32 s21, s3  }
0x9d: {  	[timem:s7], [sflag:s22] =	dma.local [hbm:s5], s20  }
0x9e: {  	_ =	swait.ge [sflag:s22], s20  }
0x9f: {  	s4 =	ssub.s32 $0x0, s20;
	[sflag:s22] =	ssyncset.done $0x0  }
0xa0: {  	[sflag:s22] =	ssyncadd.s32 s4;
	_ =	sdelay $0x1  }
0xa1: {  	s23 =	simm.s32 $0x1B8B  }
0xa2: {  	_ =	swait.ge [sflag:s23], $0x1  }
0xa3: {  	[sflag:s23] =	ssyncset.done $0x0  }
0xa4: {  	s25 =	simm.s32 $0x1B8E;
	s24 =	sld [smem:$0x3FFE];
	[sflag:s23] =	ssyncadd.s32 $0xFFFFFFFF  }
0xa5: {  	s26 =	simm.s32 $execute0_lowered;
	[smem:$0x3FD2] =	sst s25  }
0xa6: {  	s5 =	sshll.u32 s26, $0x1;
	_ =	strace $0x80000046;
	[dreg:$0x1] =	wrdreg $0xFFFFFFFF  }
0xa7: {  	s28 =	simm.s32 $_size_execute0_lowered;
	s3 =	sadd.s32 s3, s5;
	[dreg:$0x0] =	wrdreg $0x0  }
0xa8: {  	s5 =	sshll.u32 s28, $0x1;
	[dreg:$0x2] =	wrdreg s3  }
0xa9: {  	[dreg:$0x3] =	wrdreg s5  }
0xaa: {  	[dreg:$0x4] =	wrdreg $0xC0  }
0xab: {  	_ =	task [dreg:s7], $0x5FFFF  }
0xac: {  	[dreg:$0x1] =	wrdreg $0xFFFFFFFF  }
0xad: {  	[dreg:$0x0] =	wrdreg $0x60  }
0xae: {  	[dreg:$0x2] =	wrdreg s2  }
0xaf: {  	[dreg:$0x3] =	wrdreg s24  }
0xb0: {  	[dreg:$0x4] =	wrdreg $0x9  }
0xb1: {  	_ =	task.clear_ibuf [dreg:s7], $0x5FFFF;
	_ =	strace $0x90000046  }
0xb2: {  	s29 =	simm.s32 $0x9;
	_ =	strace $0x80000048  }
0xb3: {  	_ =	swait.ge [sflag:s29], $0x1  }
0xb4: {  	[sflag:s29] =	ssyncadd.s32 $0xFFFFFFFF  }
0xb5: {  	_ =	strace $0x90000048  }
0xb6: {  	_ =	sfence  }
0xb7: {  	s30 =	sld [smem:$0x0];
	_ =	sdelay $0x2  }
0xb8: {  	s31 =	sshll.u32 s1, $0xD;
	s1 =	sshrl.u32 s1, $0x2  }
0xb9: {  	s3 =	sand.u32 $0x4000, s31;
	s1 =	sadd.s32 s1, s30  }
0xba: {  	s0 =	sor.u32 s3, s0;
	s1 =	sshll.u32 s1, $0x11  }
0xbb: {  	s0 =	sor.u32 s1, s0  }
0xbc: {  	s0 =	sadd.s32 $0x8F2B, s0  }
0xbd: {  	[sflag:s0] =	ssyncadd.remote.s32 $0x1  }
0xbe: {  	_ =	sfence.sel $0xFFFF  }
0xbf: {  	[dreg:$0x0] =	wrdreg $0xFFFFFFFF;
	(pc) =	sbr.abs _section_cstart, $3  }
0xc0: {  	[dreg:$0x1] =	wrdreg $0xFFFFFFFF  }
0xc1: {  	_ =	task.clear_ibuf [dreg:s7], $0x2FFFF;
	_ =	strace $0x9FFFFFFF  }
0xc2: {  	(tm) =	ssettm $0x7FFFFFFF  }
0xc3: {  	_ =	shalt  }
tec
execute0_lowered:
.L_overlay_start_1:
0x0: {  	(tag) =	ssettag $0x1  }
0x1: {  	s0 =	srdreg.scid  }
0x2: {  	s7 =	sand.u32 $0x1, s0;
	s0 =	stileid.u32  }
0x3: {  	s3 =	sor.u32 s0, s7  }
0x4: {  	p0 =	sne.s32 s3, $0x0  }
.Ltmp0:
0x5: {  	_ = 	snop;
	(pc) =	sbr.rel @p0 .LBB2_4-.Ltmp0, $4  }
0x6: {  	_ = 	snop  }
0x7: {  	s2 =	rddreg [dreg:$0x0]  }
0x8: {  	s8 =	rddreg [dreg:$0x1]  }
0x9: {  	s1 =	rddreg [dreg:$0x2];
	_ =	strace $0x80000047  }
0xa: {  	s4 =	simm.s32 $0x0;
	s3 =	simm.s32 $0x1  }
0xb: {  	[tilespmem:s4], [sflag:$0x1] =	stream.linear.gather [hbm4b:s2+s4], $0x80, $0x38;
	[tilespmem:$0x200] =	vst v63  }
0xc: {  	_ =	swait.ge [sflag:s3], $0x80  }
0xd: {  	[sflag:s3] =	ssyncset.done $0x0  }
0xe: {  	[sflag:s3] =	ssyncadd.s32 $0xFFFFFF80  }
0xf: {  	v3 =	vld [tilespmem:$0x20]  }
0x10: {  	v4 =	vld [tilespmem:$0x30]  }
0x11: {  	v0 =	vimm.f32 $0.0e+00  }
0x12: {  	[tilespmem:$0x1B0] =	vst v0  }
0x13: {  	[tilespmem:$0x1A0] =	vst v0  }
0x14: {  	[tilespmem:$0x190] =	vst v0  }
0x15: {  	[tilespmem:$0x180] =	vst v0;
	v5 =	vld [tilespmem:$0x10]  }
0x16: {  	v1 =	vimm.f32 $1.000000000e+00;
	s5 =	simm.s32 $0x100;
	[tilespmem:$0x100] =	vst v0;
	v6 =	vld [tilespmem:$0x0]  }
0x17: {  	[tilespmem:v3+s5+$0x0] =	vst.idx.add.f32.msk $0xffff, v1  }
0x18: {  	[tilespmem:v4+s5+$0x0] =	vst.idx.add.f32.msk $0xffff, v1  }
0x19: {  	v7 =	vld [tilespmem:$0x100];
	_ =	sdelay $0x2  }
0x1a: {  	vm0 =	vcmask $0x1B00  }
0x1b: {  	v2 =	vsel vm0, $0x3F800000, v0  }
0x1c: {  	v7 =	vadd.f32 v2, v7;
	_ =	sdelay $0x1  }
0x1d: {  	v8 =	vmax.f32 v7, $1.000000000e+00  }
0x1e: {  	(erf) = vrcp.f32 v8;
	_ =	sdelay $0x7  }
0x1f: {  	v8 =	vmul.f32 $5.000000000e-01, v8  }
0x20: {  	v9 =	vpop (erf)  }
0x21: {  	v10 =	vmul.f32 v9, v8;
	_ =	sdelay $0x1  }
0x22: {  	v10 =	vmul.f32 v10, v9;
	_ =	sdelay $0x1  }
0x23: {  	v10 =	vsub.f32 $1.500000000e+00, v10;
	_ =	sdelay $0x1  }
0x24: {  	v9 =	vmul.f32 v10, v9;
	_ =	sdelay $0x1  }
0x25: {  	v10 =	vmul.f32 v9, v8;
	_ =	sdelay $0x1  }
0x26: {  	v10 =	vmul.f32 v10, v9;
	_ =	sdelay $0x1  }
0x27: {  	v10 =	vsub.f32 $1.500000000e+00, v10;
	_ =	sdelay $0x1  }
0x28: {  	v9 =	vmul.f32 v10, v9;
	_ =	sdelay $0x1  }
0x29: {  	v10 =	vmul.f32 v9, v8;
	_ =	sdelay $0x1  }
0x2a: {  	v10 =	vmul.f32 v10, v9;
	_ =	sdelay $0x1  }
0x2b: {  	v10 =	vsub.f32 $1.500000000e+00, v10;
	_ =	sdelay $0x1  }
0x2c: {  	v9 =	vmul.f32 v10, v9;
	_ =	sdelay $0x1  }
0x2d: {  	v10 =	vmul.f32 v9, v8;
	_ =	sdelay $0x1  }
0x2e: {  	v10 =	vmul.f32 v10, v9;
	_ =	sdelay $0x1  }
0x2f: {  	v10 =	vsub.f32 $1.500000000e+00, v10;
	_ =	sdelay $0x1  }
0x30: {  	v9 =	vmul.f32 v10, v9;
	_ =	sdelay $0x1  }
0x31: {  	v10 =	vmul.f32 v9, v8;
	_ =	sdelay $0x1  }
0x32: {  	v10 =	vmul.f32 v10, v9;
	_ =	sdelay $0x1  }
0x33: {  	v10 =	vsub.f32 $1.500000000e+00, v10;
	_ =	sdelay $0x1  }
0x34: {  	v9 =	vmul.f32 v10, v9;
	_ =	sdelay $0x1  }
0x35: {  	v10 =	vmul.f32 v9, v8;
	_ =	sdelay $0x1  }
0x36: {  	v10 =	vmul.f32 v10, v9;
	_ =	sdelay $0x1  }
0x37: {  	v10 =	vsub.f32 $1.500000000e+00, v10;
	_ =	sdelay $0x1  }
0x38: {  	v9 =	vmul.f32 v10, v9;
	_ =	sdelay $0x1  }
0x39: {  	v10 =	vmul.f32 v9, v8;
	_ =	sdelay $0x1  }
0x3a: {  	v10 =	vmul.f32 v10, v9;
	_ =	sdelay $0x1  }
0x3b: {  	v10 =	vsub.f32 $1.500000000e+00, v10;
	_ =	sdelay $0x1  }
0x3c: {  	v9 =	vmul.f32 v10, v9;
	_ =	sdelay $0x1  }
0x3d: {  	v10 =	vmul.f32 v9, v8;
	_ =	sdelay $0x1  }
0x3e: {  	v10 =	vmul.f32 v10, v9;
	_ =	sdelay $0x1  }
0x3f: {  	v10 =	vsub.f32 $1.500000000e+00, v10;
	_ =	sdelay $0x1  }
0x40: {  	v9 =	vmul.f32 v10, v9;
	_ =	sdelay $0x1  }
0x41: {  	v10 =	vmul.f32 v9, v8;
	_ =	sdelay $0x1  }
0x42: {  	v10 =	vmul.f32 v10, v9;
	_ =	sdelay $0x1  }
0x43: {  	v10 =	vsub.f32 $1.500000000e+00, v10;
	_ =	sdelay $0x1  }
0x44: {  	v9 =	vmul.f32 v10, v9;
	_ =	sdelay $0x1  }
0x45: {  	v8 =	vmul.f32 v9, v8;
	_ =	sdelay $0x1  }
0x46: {  	v8 =	vmul.f32 v8, v9;
	_ =	sdelay $0x1  }
0x47: {  	v8 =	vsub.f32 $1.500000000e+00, v8;
	_ =	sdelay $0x1  }
0x48: {  	v8 =	vmul.f32 v8, v9  }
0x49: {  	vm15 =	vgt.f32 v7, $0.0e+00  }
0x4a: {  	v7 =	vnsel vm15, $0x0, v8  }
0x4b: {  	s6 =	simm.s32 $0x80;
	[tilespmem:$0x80] =	vst v7  }
0x4c: {  	v61 =	vld.idx.msk [tilespmem:v4+s6+$0x0], $0xffff  }
0x4d: {  	v62 =	vld.idx.msk [tilespmem:v6+s6+$0x0], $0xffff  }
0x4e: {  	v63 =	vld.idx.msk [tilespmem:v3+s6+$0x0], $0xffff  }
0x4f: {  	s9 =	ssub.s32 $0x2, s7;
	v11 =	vld.idx.msk [tilespmem:v5+s6+$0x0], $0xffff;
	v3 =	vshll.u32 v3, $0x3  }
0x50: {  	v12 =	vlaneseq.u32;
	s10 =	sshrl.u32 s9, $0x1;
	v4 =	vshll.u32 v4, $0x3;
	v6 =	vadd.s32 v6, v3  }
0x51: {  	s9 =	ssub.s32 s9, s10;
	v3 =	vmul.u32 $0x9, v12;
	v4 =	vadd.s32 v5, v4  }
0x52: {  	p0 =	sne.s32 s9, $0x1  }
.Ltmp1:
0x53: {  	v5 =	vmul.f32 v63, v62;
	(pc) =	sbr.rel @!p0 .LBB2_3-.Ltmp1, $4  }
0x54: {  	s7 =	simm.s32 $0x180;
	v8 =	vmul.f32 v61, v11  }
0x55: {  	v7 =	vmul.f32 v7, v7;
	[tilespmem:v6+s7+$0x0] =	vst.idx.add.f32.msk $0xffff, v5  }
0x56: {  	[tilespmem:v4+s7+$0x0] =	vst.idx.add.f32.msk $0xffff, v8  }
0x57: {  	s8 =	sadd.s32 $0x600, s8;
	s9 =	sadd.s32 $0xFFFFFFFF, s9;
	[tilespmem:v3+s7+$0x0] =	vst.idx.add.f32.msk $0x7f, v7  }
.LBB2_2:
0x58: {  	[hbm4b:s8+s4] =	stream.linear.scatter [tilespmem:s7], [sflag:$0x1], $0x80, $0x38;
	[tilespmem:$0x200] =	vst v63  }
0x59: {  	p0 =	sne.s32 s9, $0x1;
	s9 =	sadd.s32 $0xFFFFFFFF, s9;
	_ =	swait.ge [sflag:s3], $0x80  }
0x5a: {  	[sflag:s3] =	ssyncset.done $0x0  }
0x5b: {  	[sflag:s3] =	ssyncadd.s32 $0xFFFFFF80  }
0x5c: {  	[tilespmem:s4], [sflag:$0x1] =	stream.linear.gather [hbm4b:s2+s4], $0x80, $0x38;
	[tilespmem:$0x200] =	vst v63  }
0x5d: {  	_ =	swait.ge [sflag:s3], $0x80  }
0x5e: {  	[sflag:s3] =	ssyncset.done $0x0  }
0x5f: {  	[sflag:s3] =	ssyncadd.s32 $0xFFFFFF80  }
0x60: {  	v5 =	vld [tilespmem:$0x20]  }
0x61: {  	v4 =	vld [tilespmem:$0x30];
	_ =	sdelay $0x1  }
0x62: {  	[tilespmem:$0x1B0] =	vst v0  }
0x63: {  	[tilespmem:$0x1A0] =	vst v0  }
0x64: {  	[tilespmem:$0x190] =	vst v0  }
0x65: {  	[tilespmem:$0x180] =	vst v0;
	v6 =	vld [tilespmem:$0x10]  }
0x66: {  	[tilespmem:$0x100] =	vst v0;
	v7 =	vld [tilespmem:$0x0]  }
0x67: {  	[tilespmem:v5+s5+$0x0] =	vst.idx.add.f32.msk $0xffff, v1  }
0x68: {  	[tilespmem:v4+s5+$0x0] =	vst.idx.add.f32.msk $0xffff, v1  }
0x69: {  	v8 =	vld [tilespmem:$0x100];
	_ =	sdelay $0x4  }
0x6a: {  	v8 =	vadd.f32 v2, v8;
	_ =	sdelay $0x1  }
0x6b: {  	v9 =	vmax.f32 v8, $1.000000000e+00  }
0x6c: {  	(erf) = vrcp.f32 v9;
	_ =	sdelay $0x7  }
0x6d: {  	v9 =	vmul.f32 $5.000000000e-01, v9  }
0x6e: {  	v10 =	vpop (erf)  }
0x6f: {  	v11 =	vmul.f32 v10, v9;
	_ =	sdelay $0x1  }
0x70: {  	v11 =	vmul.f32 v11, v10;
	_ =	sdelay $0x1  }
0x71: {  	v11 =	vsub.f32 $1.500000000e+00, v11;
	_ =	sdelay $0x1  }
0x72: {  	v10 =	vmul.f32 v11, v10;
	_ =	sdelay $0x1  }
0x73: {  	v11 =	vmul.f32 v10, v9;
	_ =	sdelay $0x1  }
0x74: {  	v11 =	vmul.f32 v11, v10;
	_ =	sdelay $0x1  }
0x75: {  	v11 =	vsub.f32 $1.500000000e+00, v11;
	_ =	sdelay $0x1  }
0x76: {  	v10 =	vmul.f32 v11, v10;
	_ =	sdelay $0x1  }
0x77: {  	v11 =	vmul.f32 v10, v9;
	_ =	sdelay $0x1  }
0x78: {  	v11 =	vmul.f32 v11, v10;
	_ =	sdelay $0x1  }
0x79: {  	v11 =	vsub.f32 $1.500000000e+00, v11;
	_ =	sdelay $0x1  }
0x7a: {  	v10 =	vmul.f32 v11, v10;
	_ =	sdelay $0x1  }
0x7b: {  	v11 =	vmul.f32 v10, v9;
	_ =	sdelay $0x1  }
0x7c: {  	v11 =	vmul.f32 v11, v10;
	_ =	sdelay $0x1  }
0x7d: {  	v11 =	vsub.f32 $1.500000000e+00, v11;
	_ =	sdelay $0x1  }
0x7e: {  	v10 =	vmul.f32 v11, v10;
	_ =	sdelay $0x1  }
0x7f: {  	v11 =	vmul.f32 v10, v9;
	_ =	sdelay $0x1  }
0x80: {  	v11 =	vmul.f32 v11, v10;
	_ =	sdelay $0x1  }
0x81: {  	v11 =	vsub.f32 $1.500000000e+00, v11;
	_ =	sdelay $0x1  }
0x82: {  	v10 =	vmul.f32 v11, v10;
	_ =	sdelay $0x1  }
0x83: {  	v11 =	vmul.f32 v10, v9;
	_ =	sdelay $0x1  }
0x84: {  	v11 =	vmul.f32 v11, v10;
	_ =	sdelay $0x1  }
0x85: {  	v11 =	vsub.f32 $1.500000000e+00, v11;
	_ =	sdelay $0x1  }
0x86: {  	v10 =	vmul.f32 v11, v10;
	_ =	sdelay $0x1  }
0x87: {  	v11 =	vmul.f32 v10, v9;
	_ =	sdelay $0x1  }
0x88: {  	v11 =	vmul.f32 v11, v10;
	_ =	sdelay $0x1  }
0x89: {  	v11 =	vsub.f32 $1.500000000e+00, v11;
	_ =	sdelay $0x1  }
0x8a: {  	v10 =	vmul.f32 v11, v10;
	_ =	sdelay $0x1  }
0x8b: {  	v11 =	vmul.f32 v10, v9;
	_ =	sdelay $0x1  }
0x8c: {  	v11 =	vmul.f32 v11, v10;
	_ =	sdelay $0x1  }
0x8d: {  	v11 =	vsub.f32 $1.500000000e+00, v11;
	_ =	sdelay $0x1  }
0x8e: {  	v10 =	vmul.f32 v11, v10;
	_ =	sdelay $0x1  }
0x8f: {  	v11 =	vmul.f32 v10, v9;
	_ =	sdelay $0x1  }
0x90: {  	v11 =	vmul.f32 v11, v10;
	_ =	sdelay $0x1  }
0x91: {  	v11 =	vsub.f32 $1.500000000e+00, v11;
	_ =	sdelay $0x1  }
0x92: {  	v10 =	vmul.f32 v11, v10;
	_ =	sdelay $0x1  }
0x93: {  	v9 =	vmul.f32 v10, v9;
	_ =	sdelay $0x1  }
0x94: {  	v9 =	vmul.f32 v9, v10;
	_ =	sdelay $0x1  }
0x95: {  	v9 =	vsub.f32 $1.500000000e+00, v9;
	_ =	sdelay $0x1  }
0x96: {  	v9 =	vmul.f32 v9, v10  }
0x97: {  	vm0 =	vgt.f32 v8, $0.0e+00  }
0x98: {  	v8 =	vnsel vm0, $0x0, v9  }
0x99: {  	[tilespmem:$0x80] =	vst v8  }
0x9a: {  	v9 =	vld.idx.msk [tilespmem:v4+s6+$0x0], $0xffff  }
0x9b: {  	v10 =	vld.idx.msk [tilespmem:v6+s6+$0x0], $0xffff  }
0x9c: {  	v11 =	vld.idx.msk [tilespmem:v7+s6+$0x0], $0xffff  }
0x9d: {  	v12 =	vld.idx.msk [tilespmem:v5+s6+$0x0], $0xffff  }
0x9e: {  	v5 =	vshll.u32 v5, $0x3  }
0x9f: {  	v4 =	vshll.u32 v4, $0x3;
	v5 =	vadd.s32 v7, v5  }
0xa0: {  	v4 =	vadd.s32 v6, v4  }
0xa1: {  	v6 =	vmul.f32 v9, v10;
	_ =	sdelay $0x1  }
.Ltmp2:
0xa2: {  	v7 =	vmul.f32 v12, v11;
	(pc) =	sbr.rel @p0 .LBB2_2-.Ltmp2, $4  }
0xa3: {  	v8 =	vmul.f32 v8, v8  }
0xa4: {  	[tilespmem:v5+s7+$0x0] =	vst.idx.add.f32.msk $0xffff, v7  }
0xa5: {  	[tilespmem:v4+s7+$0x0] =	vst.idx.add.f32.msk $0xffff, v6  }
0xa6: {  	[tilespmem:v3+s7+$0x0] =	vst.idx.add.f32.msk $0x7f, v8  }
.LBB2_3:
0xa7: {  	[hbm4b:s8+s4] =	stream.linear.scatter [tilespmem:s7], [sflag:$0x1], $0x80, $0x38;
	[tilespmem:$0x200] =	vst v63  }
0xa8: {  	_ =	swait.ge [sflag:s3], $0x80  }
0xa9: {  	[sflag:s3] =	ssyncset.done $0x0  }
0xaa: {  	[sflag:s3] =	ssyncadd.s32 $0xFFFFFF80  }
.LBB2_4:
0xab: {  	_ =	sfence.sel $0x180000  }
0xac: {  	[bflag:$0x0] =	sbarrier.arrive $0xFFFF  }
0xad: {  	p0 =	sne.s32 s0, $0x0;
	_ =	strace $0x90000047  }
0xae: {  	s0 =	sadd.s32 @!p0 $0x100000, s1;
	[bflag:$0x2] =	sbarrier.arrive $0xFFFF  }
0xaf: {  	[sflag:s0] =	ssyncadd.tile.s32 @!p0 $0x1;
	_ =	shalt  }
.Lfunc_end2:
_tile_overlayer_lowered:
.L_overlay_start_2:
0xb0: {  	(tag) =	ssettag $0x2  }
0xb1: {  	s0 =	rddreg [dreg:$0x0];
	s2 =	stileid.u32  }
0xb2: {  	s1 =	rddreg [dreg:$0x1];
	p0 =	sne.s32 s2, $0x0  }
0xb3: {  	s3 =	rddreg [dreg:$0x2];
	[bflag:$0x3] =	sbarrier.arrive $0xFFFF;
	s2 =	simm.s32 @!p0 $0x1C01  }
0xb4: {  	[timem:s3], [sflag:s2] =	dma.local @!p0 [hbm:s0], s1  }
0xb5: {  	s0 =	simm.s32 @!p0 $0x1  }
0xb6: {  	_ =	swait.ge @!p0 [sflag:s0], s1  }
0xb7: {  	s1 =	ssub.s32 @!p0 $0x0, s1;
	[sflag:s0] =	ssyncset.done @!p0 $0x0  }
0xb8: {  	[sflag:s0] =	ssyncadd.s32 @!p0 s1  }
0xb9: {  	[bflag:$0x3] =	sbarrier.arrive $0xFFFF  }
0xba: {  	_ =	shalt  }

</sc_bundles>
